<compile_context>
chip_gen: v7x
topology: tpu7x:2x2x1
jax: 0.10.2.dev20260603
libtpu: 0.0.44.dev20260713+nightly
codegen_flags: <defaults>
</compile_context>

<pallas_src>
import functools

import jax
import jax.numpy as jnp
from jax import lax
from jax.experimental import pallas as pl
from jax.experimental.pallas import tpu as pltpu
from jax.experimental.pallas import tpu_sc as plsc

_LEAK = 0.01
_EB = 2048
_NB = 512
_M = 12


def _leaky(x):
    return jnp.where(x > 0, x, _LEAK * x)


def _mm(a, b):
    return jax.lax.dot(a, b, precision=jax.lax.Precision.DEFAULT)


def _softplus(x):
    return jnp.log1p(jnp.exp(-jnp.abs(x))) + jnp.maximum(x, 0.0)


def _sigmoid(x):
    return 1.0 / (1.0 + jnp.exp(-x))



@functools.partial(jax.jit, static_argnames=("chunk_rows",))
def _sc_gather(table, idx, chunk_rows=768):
    V, D = table.shape
    B = idx.shape[0]
    info = plsc.get_sparse_core_info()
    NC, NS = info.num_cores, info.num_subcores
    NW = NC * NS
    b_per_w = B // NW
    nchunks = b_per_w // chunk_rows
    assert b_per_w % chunk_rows == 0 and B % (8 * NW) == 0

    mesh = plsc.VectorSubcoreMesh(core_axis_name="c", subcore_axis_name="s")

    @functools.partial(
        pl.kernel, mesh=mesh,
        out_type=jax.ShapeDtypeStruct((B, D), jnp.float32),
        scratch_types=[
            pltpu.VMEM((chunk_rows,), jnp.int32),
            pltpu.VMEM((chunk_rows, D), jnp.float32),
            pltpu.SemaphoreType.DMA,
        ],
    )
    def k(table_hbm, idx_hbm, out_hbm, idx_v, rows_v, sem):
        wid = lax.axis_index("s") * NC + lax.axis_index("c")
        base = wid * b_per_w
        for c in range(nchunks):
            off = base + c * chunk_rows
            pltpu.sync_copy(idx_hbm.at[pl.ds(off, chunk_rows)], idx_v)
            pltpu.async_copy(table_hbm.at[idx_v], rows_v, sem).wait()
            pltpu.sync_copy(rows_v, out_hbm.at[pl.ds(off, chunk_rows)])

    return k(table, idx)



def _linear_tc(x, W, b, rows_blk):
    N, Din = x.shape
    Dout = W.shape[1]
    grid = (N // rows_blk,)

    def body(x_ref, w_ref, b_ref, o_ref):
        o_ref[...] = _mm(x_ref[...], w_ref[...]) + b_ref[...]

    return pl.pallas_call(
        body,
        grid=grid,
        in_specs=[
            pl.BlockSpec((rows_blk, Din), lambda i: (i, 0)),
            pl.BlockSpec((Din, Dout), lambda i: (0, 0)),
            pl.BlockSpec((1, Dout), lambda i: (0, 0)),
        ],
        out_specs=pl.BlockSpec((rows_blk, Dout), lambda i: (i, 0)),
        out_shape=jax.ShapeDtypeStruct((N, Dout), jnp.float32),
    )(x, W, b.reshape(1, Dout))



def _edge_mlp(es, en, ef, wgs, wgn, wge, bg1, wg2, bg2,
              wms, wmn, wme, bm1, wm2, bm2):
    E, Dt = es.shape
    De = ef.shape[1]
    H3 = wgs.shape[1]
    grid = (E // _EB,)

    def body(es_ref, en_ref, ef_ref, wgs_r, wgn_r, wge_r, bg1_r, wg2_r,
             bg2_r, wms_r, wmn_r, wme_r, bm1_r, wm2_r, bm2_r,
             gate_ref, msg_ref):
        esv = es_ref[...]
        env = en_ref[...]
        efv = ef_ref[...]
        h1 = _leaky(_mm(esv, wgs_r[...]) + _mm(env, wgn_r[...])
                    + _mm(efv, wge_r[...]) + bg1_r[...])
        gate_ref[...] = _mm(h1, wg2_r[...]) + bg2_r[...]
        h2 = _leaky(_mm(esv, wms_r[...]) + _mm(env, wmn_r[...])
                    + _mm(efv, wme_r[...]) + bm1_r[...])
        msg_ref[...] = _mm(h2, wm2_r[...]) + bm2_r[...]

    return pl.pallas_call(
        body,
        grid=grid,
        in_specs=[
            pl.BlockSpec((_EB, Dt), lambda i: (i, 0)),
            pl.BlockSpec((_EB, Dt), lambda i: (i, 0)),
            pl.BlockSpec((_EB, De), lambda i: (i, 0)),
            pl.BlockSpec((Dt, H3), lambda i: (0, 0)),
            pl.BlockSpec((Dt, H3), lambda i: (0, 0)),
            pl.BlockSpec((De, H3), lambda i: (0, 0)),
            pl.BlockSpec((1, H3), lambda i: (0, 0)),
            pl.BlockSpec((H3, 8), lambda i: (0, 0)),
            pl.BlockSpec((1, 8), lambda i: (0, 0)),
            pl.BlockSpec((Dt, H3), lambda i: (0, 0)),
            pl.BlockSpec((Dt, H3), lambda i: (0, 0)),
            pl.BlockSpec((De, H3), lambda i: (0, 0)),
            pl.BlockSpec((1, H3), lambda i: (0, 0)),
            pl.BlockSpec((H3, H3), lambda i: (0, 0)),
            pl.BlockSpec((1, H3), lambda i: (0, 0)),
        ],
        out_specs=[
            pl.BlockSpec((_EB, 8), lambda i: (i, 0)),
            pl.BlockSpec((_EB, H3), lambda i: (i, 0)),
        ],
        out_shape=[
            jax.ShapeDtypeStruct((E, 8), jnp.float32),
            jax.ShapeDtypeStruct((E, H3), jnp.float32),
        ],
    )(es, en, ef, wgs, wgn, wge, bg1, wg2, bg2, wms, wmn, wme, bm1, wm2, bm2)



def _node_mlp(x, wg1, bg1, wg2, bg2, wm1, bm1, wm2, bm2):
    N, D = x.shape
    H3 = wg1.shape[1]
    grid = (N // _EB,)

    def body(x_ref, wg1_r, bg1_r, wg2_r, bg2_r, wm1_r, bm1_r, wm2_r, bm2_r,
             gate_ref, msg_ref):
        xv = x_ref[...]
        h1 = _leaky(_mm(xv, wg1_r[...]) + bg1_r[...])
        gate_ref[...] = _mm(h1, wg2_r[...]) + bg2_r[...]
        h2 = _leaky(_mm(xv, wm1_r[...]) + bm1_r[...])
        msg_ref[...] = _mm(h2, wm2_r[...]) + bm2_r[...]

    return pl.pallas_call(
        body,
        grid=grid,
        in_specs=[
            pl.BlockSpec((_EB, D), lambda i: (i, 0)),
            pl.BlockSpec((D, H3), lambda i: (0, 0)),
            pl.BlockSpec((1, H3), lambda i: (0, 0)),
            pl.BlockSpec((H3, 8), lambda i: (0, 0)),
            pl.BlockSpec((1, 8), lambda i: (0, 0)),
            pl.BlockSpec((D, H3), lambda i: (0, 0)),
            pl.BlockSpec((1, H3), lambda i: (0, 0)),
            pl.BlockSpec((H3, H3), lambda i: (0, 0)),
            pl.BlockSpec((1, H3), lambda i: (0, 0)),
        ],
        out_specs=[
            pl.BlockSpec((_EB, 8), lambda i: (i, 0)),
            pl.BlockSpec((_EB, H3), lambda i: (i, 0)),
        ],
        out_shape=[
            jax.ShapeDtypeStruct((N, 8), jnp.float32),
            jax.ShapeDtypeStruct((N, H3), jnp.float32),
        ],
    )(x, wg1, bg1.reshape(1, -1), wg2, bg2, wm1, bm1.reshape(1, -1),
      wm2, bm2)



def _bn_apply_embed(y, st, w2, b2, wcg, bcg):
    N, D = y.shape

    def body(y_ref, st_r, w2_r, b2_r, wcg_r, bcg_r, o_ref):
        mu = st_r[0:1, :]
        rstd = st_r[1:2, :]
        ga = st_r[2:3, :]
        be = st_r[3:4, :]
        z = _leaky(ga * (y_ref[...] - mu) * rstd + be)
        y2 = _mm(z, w2_r[...]) + b2_r[...]
        o_ref[...] = _mm(y2, wcg_r[...]) + bcg_r[...]

    return pl.pallas_call(
        body,
        out_shape=jax.ShapeDtypeStruct((N, wcg.shape[1]), jnp.float32),
    )(y, st, w2, b2.reshape(1, -1), wcg, bcg.reshape(1, -1))



def _conv_pre(atom, anbr3, bond3, ws, wn, wb, bias):
    N, D = atom.shape
    F = ws.shape[1]
    Db = bond3.shape[2]
    grid = (N // _NB,)
    nb = N // _NB

    Dn = anbr3.shape[2]

    def body(a_ref, an_ref, bd_ref, ws_r, wn_r, wb_r, b_r, g_ref):
        self_t = _mm(a_ref[...], ws_r[...])
        an2 = an_ref[...].reshape(_NB * _M, Dn)
        bd2 = bd_ref[...].reshape(_NB * _M, Db)
        g2 = _mm(an2, wn_r[...]) + _mm(bd2, wb_r[...]) + b_r[...]
        g3 = g2.reshape(_NB, _M, F) + self_t[:, None, :]
        g_ref[...] = g3

    return pl.pallas_call(
        body,
        grid=grid,
        in_specs=[
            pl.BlockSpec((_NB, D), lambda i: (i, 0)),
            pl.BlockSpec((_NB, _M, Dn), lambda i: (i, 0, 0)),
            pl.BlockSpec((_NB, _M, Db), lambda i: (i, 0, 0)),
            pl.BlockSpec((D, F), lambda i: (0, 0)),
            pl.BlockSpec((Dn, F), lambda i: (0, 0)),
            pl.BlockSpec((Db, F), lambda i: (0, 0)),
            pl.BlockSpec((1, F), lambda i: (0, 0)),
        ],
        out_specs=pl.BlockSpec((_NB, _M, F), lambda i: (i, 0, 0)),
        out_shape=jax.ShapeDtypeStruct((N, _M, F), jnp.float32),
    )(atom, anbr3, bond3, ws, wn, wb, bias)


def _conv_apply(g, stats):
    N = g.shape[0]
    F = g.shape[2]
    D = F // 2
    grid = (N // _NB,)
    nb = N // _NB

    def body(g_ref, st_r, s_ref):
        mu = st_r[0:1, :]
        rstd = st_r[1:2, :]
        ga = st_r[2:3, :]
        be = st_r[3:4, :]
        acc = jnp.zeros((_NB, D), jnp.float32)
        for m in range(_M):
            gm = g_ref[:, m, :]
            gn = ga * (gm - mu) * rstd + be
            filt = gn[:, :D]
            core = gn[:, D:]
            acc = acc + _sigmoid(filt) * _softplus(core)
        s_ref[...] = acc

    return pl.pallas_call(
        body,
        grid=grid,
        in_specs=[
            pl.BlockSpec((_NB, _M, F), lambda i: (i, 0, 0)),
            pl.BlockSpec((8, F), lambda i: (0, 0)),
        ],
        out_specs=pl.BlockSpec((_NB, D), lambda i: (i, 0)),
        out_shape=jax.ShapeDtypeStruct((N, D), jnp.float32),
    )(g, stats)


def _conv_post(atom, s, stats2):
    N, D = atom.shape

    def body(a_ref, s_ref, st_r, o_ref):
        mu = st_r[0:1, :]
        rstd = st_r[1:2, :]
        ga = st_r[2:3, :]
        be = st_r[3:4, :]
        z = ga * (s_ref[...] - mu) * rstd + be
        o_ref[...] = _softplus(a_ref[...] + z)

    return pl.pallas_call(
        body,
        out_shape=jax.ShapeDtypeStruct((N, D), jnp.float32),
    )(atom, s, stats2)



def _out_head(crys, wcf, bcf, wo, bo):
    Bc, D = crys.shape
    H = wcf.shape[1]

    def body(c_ref, wcf_r, bcf_r, wo_r, bo_r, o_ref):
        c1 = _softplus(c_ref[...])
        h = _softplus(_mm(c1, wcf_r[...]) + bcf_r[...])
        o_ref[...] = _mm(h, wo_r[...]) + bo_r[...]

    return pl.pallas_call(
        body,
        out_shape=jax.ShapeDtypeStruct((Bc, 8), jnp.float32),
    )(crys, wcf, bcf.reshape(1, -1), wo, bo)



def _pack_heads(layer, din_s, din_n, din_e, dtab):
    H = 64
    nh = len(layer)
    wg1 = jnp.concatenate([hp["gate"]["hidden"][0][0] for hp in layer], 1)
    bg1 = jnp.concatenate([hp["gate"]["hidden"][0][1] for hp in layer])
    wm1 = jnp.concatenate([hp["msg"]["hidden"][0][0] for hp in layer], 1)
    bm1 = jnp.concatenate([hp["msg"]["hidden"][0][1] for hp in layer])

    def split_pad(w):
        ws = jnp.zeros((dtab, H * nh)).at[:din_s].set(w[:din_s])
        wn = jnp.zeros((dtab, H * nh)).at[:din_n].set(w[din_s:din_s + din_n])
        we = jnp.zeros((8, H * nh)).at[:din_e].set(w[din_s + din_n:])
        return ws, wn, we

    wgs, wgn, wge = split_pad(wg1)
    wms, wmn, wme = split_pad(wm1)

    wg2 = jnp.zeros((H * nh, 8))
    bg2 = jnp.zeros((1, 8))
    wm2 = jnp.zeros((H * nh, H * nh))
    bm2 = jnp.zeros((1, H * nh))
    for h, hp in enumerate(layer):
        wg2 = wg2.at[h * H:(h + 1) * H, h].set(hp["gate"]["out"][0][:, 0])
        bg2 = bg2.at[0, h].set(hp["gate"]["out"][1][0])
        wm2 = wm2.at[h * H:(h + 1) * H, h * H:(h + 1) * H].set(
            hp["msg"]["out"][0])
        bm2 = bm2.at[0, h * H:(h + 1) * H].set(hp["msg"]["out"][1])
    pows = jnp.stack([hp["pow"][0] for hp in layer])
    return (wgs, wgn, wge, bg1.reshape(1, -1), wg2, bg2,
            wms, wmn, wme, bm1.reshape(1, -1), wm2, bm2, pows)


def _pack_node_heads(heads):
    H = 64
    nh = len(heads)
    wg1 = jnp.concatenate([hp["gate"]["hidden"][0][0] for hp in heads], 1)
    bg1 = jnp.concatenate([hp["gate"]["hidden"][0][1] for hp in heads])
    wm1 = jnp.concatenate([hp["msg"]["hidden"][0][0] for hp in heads], 1)
    bm1 = jnp.concatenate([hp["msg"]["hidden"][0][1] for hp in heads])
    wg2 = jnp.zeros((H * nh, 8))
    bg2 = jnp.zeros((1, 8))
    wm2 = jnp.zeros((H * nh, H * nh))
    bm2 = jnp.zeros((1, H * nh))
    for h, hp in enumerate(heads):
        wg2 = wg2.at[h * H:(h + 1) * H, h].set(hp["gate"]["out"][0][:, 0])
        bg2 = bg2.at[0, h].set(hp["gate"]["out"][1][0])
        wm2 = wm2.at[h * H:(h + 1) * H, h * H:(h + 1) * H].set(
            hp["msg"]["out"][0])
        bm2 = bm2.at[0, h * H:(h + 1) * H].set(hp["msg"]["out"][1])
    pows = jnp.stack([hp["pow"][0] for hp in heads])
    return wg1, bg1, wg2, bg2, wm1, bm1, wm2, bm2, pows


def _bn_pack(x2d, gamma, beta, width):
    mu = jnp.mean(x2d, axis=0)
    var = jnp.mean((x2d - mu) ** 2, axis=0)
    rstd = 1.0 / jnp.sqrt(var + 1e-5)
    st = jnp.zeros((8, width))
    st = st.at[0].set(mu).at[1].set(rstd).at[2].set(gamma).at[3].set(beta)
    return st


def _segment_softmax_apply(gates, msgs, idx, weights_g, pows, num_segments):
    nh = pows.shape[0]
    g3 = gates[:, :nh]
    smax = jax.ops.segment_max(g3, idx, num_segments=num_segments)
    smax = jnp.where(jnp.isfinite(smax), smax, 0.0)
    g = g3 - smax[idx]
    g = (weights_g ** pows.reshape(1, nh)) * jnp.exp(g)
    denom = jax.ops.segment_sum(g, idx, num_segments=num_segments)
    g = g / (denom[idx] + 1e-10)
    weighted = msgs * jnp.repeat(g, 64, axis=1)
    out = jax.ops.segment_sum(weighted, idx, num_segments=num_segments)
    outs = [out[:, h * 64:(h + 1) * 64] for h in range(nh)]
    gs = [g[:, h:h + 1] for h in range(nh)]
    return outs, gs



def kernel(comp_weights, comp_fea, edge_fea, self_fea_idx, comp_nbr_fea_idx,
           comp_node_idx, struct_nbr_fea, struct_nbr_fea_idx,
           struct_node_idx, params):
    N_COMP = comp_fea.shape[0]
    E = self_fea_idx.shape[0]
    N_STRUCT = struct_nbr_fea.shape[0]
    BOND = struct_nbr_fea.shape[2]
    Bc = 1024

    W, b = params["embed"]
    elem = _linear_tc(comp_fea, W, b, 4096)

    ef8 = jnp.zeros((E, 8), jnp.float32).at[:, :2].set(edge_fea)
    idx_self = self_fea_idx.astype(jnp.int32)
    idx_nbr = comp_nbr_fea_idx.astype(jnp.int32)

    gate_list = []
    for layer in params["mp"]:
        packed = _pack_heads(layer, 64, 64, 2, 128)
        (wgs, wgn, wge, bg1, wg2, bg2,
         wms, wmn, wme, bm1, wm2, bm2, pows) = packed
        table = jnp.concatenate(
            [elem, comp_weights, jnp.zeros((N_COMP, 63), jnp.float32)], 1)
        es = _sc_gather(table, idx_self)
        en = _sc_gather(table, idx_nbr)
        nw = en[:, 64:65]
        gates, msgs = _edge_mlp(es, en, ef8, wgs, wgn, wge, bg1, wg2, bg2,
                                wms, wmn, wme, bm1, wm2, bm2)
        outs, gs = _segment_softmax_apply(gates, msgs, idx_self, nw, pows,
                                          N_COMP)
        elem = elem + (outs[0] + outs[1] + outs[2]) / 3.0
        gate_list.append((gs[0] + gs[1] + gs[2]) / 3.0)

    wg1, bg1, wg2, bg2, wm1, bm1, wm2, bm2, pows = _pack_node_heads(
        params["cry"])
    gates, msgs = _node_mlp(elem, wg1, bg1, wg2, bg2, wm1, bm1, wm2, bm2)
    outs, _ = _segment_softmax_apply(gates, msgs, comp_node_idx,
                                     comp_weights, pows, N_STRUCT)
    node_fea = (outs[0] + outs[1] + outs[2]) / 3.0

    (w1, b1), = params["fc"]["hidden"]
    g1, be1 = params["fc"]["bn"][0]
    w2, b2 = params["fc"]["out"]
    wcg, bcg = params["cg_embed"]
    y = _linear_tc(node_fea, w1, b1, 4096)
    st = _bn_pack(y, g1, be1, y.shape[1])
    atom = _bn_apply_embed(y, st, w2, b2, wcg, bcg)

    nbr_flat = struct_nbr_fea_idx.reshape(-1).astype(jnp.int32)
    bond3 = jnp.zeros((N_STRUCT, _M, 48), jnp.float32).at[:, :, :BOND].set(
        struct_nbr_fea)
    for p in params["conv"]:
        wf, bf = p["fc_full"]
        ws = wf[:64]
        wn = jnp.zeros((128, wf.shape[1]), jnp.float32).at[:64].set(
            wf[64:128])
        wb = jnp.zeros((48, wf.shape[1]), jnp.float32).at[:BOND].set(wf[128:])
        atom_pad = jnp.concatenate(
            [atom, jnp.zeros((N_STRUCT, 64), jnp.float32)], 1)
        anbr = _sc_gather(atom_pad, nbr_flat)
        anbr3 = anbr.reshape(N_STRUCT, _M, 128)
        g = _conv_pre(atom, anbr3, bond3, ws, wn, wb, bf.reshape(1, -1))
        ga1, be1c = p["bn1"]
        st1 = _bn_pack(g.reshape(-1, wf.shape[1]), ga1, be1c, wf.shape[1])
        ssum = _conv_apply(g, st1)
        ga2, be2c = p["bn2"]
        st2 = _bn_pack(ssum, ga2, be2c, 64)
        atom = _conv_post(atom, ssum, st2)

    ones = jnp.ones((N_STRUCT, 1), jnp.float32)
    packed = jnp.concatenate([atom, ones], 1)
    seg = jax.ops.segment_sum(packed, struct_node_idx, num_segments=Bc)
    crys = seg[:, :-1] / jnp.maximum(seg[:, -1:], 1.0)
    wcf, bcf = params["conv_to_fc"]
    wo, bo = params["fc_out"]
    wo8 = jnp.zeros((wcf.shape[1], 8), jnp.float32).at[:, :1].set(wo)
    bo8 = jnp.zeros((1, 8), jnp.float32).at[0, 0].set(bo[0])
    out = _out_head(crys, wcf, bcf, wo8, bo8)[:, :1]

    return (out,) + tuple(gate_list)

# --- scband reference (transcript-rebuilt; emitter-appended) ---
"""Pipeline reference for scband-ssngnn-14078902796470 (READ-ONLY COPY).

The authoritative reference and input builder live on the scoring server;
editing this copy changes nothing except your own understanding.
"""

import jax, jax.numpy as jnp
import numpy as np

N_COMP = 16384
E_COMP = 49152
N_STRUCT = 16384
B = 1024
M = 12
COMP_FEA = 200
ELEM = 64
EDGE = 2
HID = 64
ATOM = 64
AH = 64
BOND = 41
HFEA = 128
N_MP = 3
HEADS = 3
N_CONV = 3


def _lin(key, fan_in, fan_out):
    k1, k2 = jax.random.split(key)
    s = 1.0 / np.sqrt(fan_in)
    W = jax.random.uniform(k1, (fan_in, fan_out), minval=-s, maxval=s, dtype=jnp.float32)
    b = jax.random.uniform(k2, (fan_out,), minval=-s, maxval=s, dtype=jnp.float32)
    return (W, b)


def _simple(key, din, dout, dh):
    k1, k2 = jax.random.split(key)
    return {"hidden": [_lin(k1, din, dh)], "out": _lin(k2, dh, dout)}


def _wap(key, din, dout, dh):
    k1, k2, k3 = jax.random.split(key, 3)
    return {"gate": _simple(k1, din, 1, dh), "msg": _simple(k2, din, dout, dh), "pow": jax.random.normal(k3, (1,), dtype=jnp.float32)}


def make_params(key):
    ks = jax.random.split(key, 40)
    mp = []
    idx = 1
    for l in range(N_MP):
        layer = []
        for h in range(HEADS):
            layer.append(_wap(ks[idx], 2 * ELEM + EDGE, ELEM, HID))
            idx += 1
        mp.append(layer)
    cry = [_wap(ks[idx + h], ELEM, ELEM, HID) for h in range(HEADS)]
    params = {
        "embed": _lin(ks[0], COMP_FEA, ELEM),
        "mp": mp,
        "cry": cry,
        "fc": {"hidden": [_lin(ks[20], ELEM, HID)], "bn": [(jnp.ones((HID,), jnp.float32), jnp.zeros((HID,), jnp.float32))], "out": _lin(ks[21], HID, ATOM)},
        "cg_embed": _lin(ks[22], ATOM, AH),
        "conv": [{"fc_full": _lin(ks[23 + c], 2 * AH + BOND, 2 * AH), "bn1": (jnp.ones((2 * AH,), jnp.float32), jnp.zeros((2 * AH,), jnp.float32)), "bn2": (jnp.ones((AH,), jnp.float32), jnp.zeros((AH,), jnp.float32))} for c in range(N_CONV)],
        "conv_to_fc": _lin(ks[30], AH, HFEA),
        "fc_out": _lin(ks[31], HFEA, 1),
    }
    return params


def setup_inputs(seed: int = 0):
    key = jax.random.key(seed)
    ks = jax.random.split(key, 12)
    return {
        "comp_weights": jax.random.uniform(ks[0], (N_COMP, 1), minval=0.01, maxval=1.0, dtype=jnp.float32),
        "comp_fea": jax.random.normal(ks[1], (N_COMP, COMP_FEA), dtype=jnp.float32),
        "edge_fea": jax.random.normal(ks[2], (E_COMP, EDGE), dtype=jnp.float32),
        "self_fea_idx": jnp.sort(jax.random.randint(ks[3], (E_COMP,), 0, N_COMP)),
        "comp_nbr_fea_idx": jax.random.randint(ks[4], (E_COMP,), 0, N_COMP),
        "comp_node_idx": jnp.sort(jax.random.randint(ks[5], (N_COMP,), 0, N_STRUCT)),
        "struct_nbr_fea": jax.random.normal(ks[6], (N_STRUCT, M, BOND), dtype=jnp.float32),
        "struct_nbr_fea_idx": jax.random.randint(ks[7], (N_STRUCT, M), 0, N_STRUCT),
        "struct_node_idx": jnp.sort(jax.random.randint(ks[8], (N_STRUCT,), 0, B)),
        "params": make_params(ks[9]),
    }


def _batchnorm(x, gb, eps=1e-5):
    g, b = gb
    mu = jnp.mean(x, axis=0)
    var = jnp.mean((x - mu) ** 2, axis=0)
    return g * (x - mu) / jnp.sqrt(var + eps) + b


def _simple_net(x, p):
    for W, b in p["hidden"]:
        x = jax.nn.leaky_relu(x @ W + b, 0.01)
    W, b = p["out"]
    return x @ W + b


def _simple_net_bn(x, p):
    for (W, b), gb in zip(p["hidden"], p["bn"]):
        x = jax.nn.leaky_relu(_batchnorm(x @ W + b, gb), 0.01)
    W, b = p["out"]
    return x @ W + b


def _wap_fwd(x, index, weights, p, num_segments):
    gate = _simple_net(x, p["gate"])
    smax = jax.ops.segment_max(gate, index, num_segments=num_segments)
    smax = jnp.where(jnp.isfinite(smax), smax, 0.0)
    gate = gate - smax[index]
    gate = (weights ** p["pow"]) * jnp.exp(gate)
    denom = jax.ops.segment_sum(gate, index, num_segments=num_segments)
    gate = gate / (denom[index] + 1e-10)
    msg = _simple_net(x, p["msg"])
    out = jax.ops.segment_sum(gate * msg, index, num_segments=num_segments)
    return out, gate


def _comp_gnn(comp_weights, comp_fea, edge_fea, self_idx, nbr_idx, node_idx, params):
    W, b = params["embed"]
    elem = comp_fea @ W + b
    gate_list = []
    for layer in params["mp"]:
        nbr_w = comp_weights[nbr_idx]
        fea = jnp.concatenate([elem[self_idx], elem[nbr_idx], edge_fea], axis=1)
        heads = []
        gates = []
        for hp in layer:
            o, g = _wap_fwd(fea, self_idx, nbr_w, hp, N_COMP)
            heads.append(o)
            gates.append(g)
        elem = elem + jnp.mean(jnp.stack(heads), axis=0)
        gate_list.append(jnp.mean(jnp.stack(gates), axis=0))
    heads = []
    for hp in params["cry"]:
        o, _ = _wap_fwd(elem, node_idx, comp_weights, hp, N_STRUCT)
        heads.append(o)
    return jnp.mean(jnp.stack(heads), axis=0), gate_list


def _conv_layer(atom, nbr_fea, nbr_idx, p):
    N, Mn = nbr_idx.shape
    atom_nbr = atom[nbr_idx]
    self_exp = jnp.broadcast_to(atom[:, None, :], (N, Mn, atom.shape[1]))
    total = jnp.concatenate([self_exp, atom_nbr, nbr_fea], axis=2)
    W, b = p["fc_full"]
    g = total @ W + b
    g = _batchnorm(g.reshape(-1, g.shape[-1]), p["bn1"]).reshape(N, Mn, -1)
    nbr_filter, nbr_core = jnp.split(g, 2, axis=2)
    nbr_sumed = jnp.sum(jax.nn.sigmoid(nbr_filter) * jax.nn.softplus(nbr_core), axis=1)
    nbr_sumed = _batchnorm(nbr_sumed, p["bn2"])
    return jax.nn.softplus(atom + nbr_sumed)


def _struct_gnn(atom_in, nbr_fea, nbr_idx, node_idx, params):
    W, b = params["cg_embed"]
    atom = atom_in @ W + b
    for p in params["conv"]:
        atom = _conv_layer(atom, nbr_fea, nbr_idx, p)
    counts = jax.ops.segment_sum(jnp.ones((atom.shape[0], 1), jnp.float32), node_idx, num_segments=B)
    crys = jax.ops.segment_sum(atom, node_idx, num_segments=B) / jnp.maximum(counts, 1.0)
    W, b = params["conv_to_fc"]
    crys = jax.nn.softplus(jax.nn.softplus(crys) @ W + b)
    W, b = params["fc_out"]
    return crys @ W + b


def reference(comp_weights, comp_fea, edge_fea, self_fea_idx, comp_nbr_fea_idx, comp_node_idx, struct_nbr_fea, struct_nbr_fea_idx, struct_node_idx, params):
    node_fea, gate_list = _comp_gnn(comp_weights, comp_fea, edge_fea, self_fea_idx, comp_nbr_fea_idx, comp_node_idx, params)
    node_fea = _simple_net_bn(node_fea, params["fc"])
    out = _struct_gnn(node_fea, struct_nbr_fea, struct_nbr_fea_idx, struct_node_idx, params)
    return (out,) + tuple(gate_list)

if __name__ == "__main__":
    import jax
    _d = setup_inputs()
    print(jax.jit(kernel)(*tuple(_d.values())))

</pallas_src>

<mosaic_0001>
#map = affine_map<(d0, d1) -> (0, 0)>
#map1 = affine_map<(d0, d1) -> (0)>
module attributes {stable_mosaic.version = 14 : i64} {
  func.func @k(%arg0: i32, %arg1: i32, %arg2: memref<16384x128xf32, #tpu.memory_space<hbm>>, %arg3: memref<49152xi32, #tpu.memory_space<hbm>>, %arg4: memref<49152x128xf32, #tpu.memory_space<hbm>>, %arg5: memref<768xi32, #tpu.memory_space<vmem>>, %arg6: memref<768x128xf32, #tpu.memory_space<vmem>>, %arg7: memref<!tpu.dma_semaphore, #tpu.memory_space<semaphore_mem>>) attributes {dimension_semantics = [#tpu.dimension_semantics<core_parallel>, #tpu.dimension_semantics<subcore_parallel>], iteration_bounds = array<i64: 2, 16>, scalar_prefetch = 0 : i64, scratch_operands = 3 : i64, tpu.core_type = #tpu.core_type<sc_vector_subcore>, window_params = [{transform_indices = #map}, {transform_indices = #map1}, {transform_indices = #map}]} {
    %mul3A = arith.constant 2 : i32
    %mul3A_0 = arith.muli %arg1, %mul3A : i32
    %add3A = arith.addi %mul3A_0, %arg0 : i32
    %mul3A_1 = arith.constant 1536 : i32
    %mul3A_2 = arith.muli %add3A, %mul3A_1 : i32
    %add3A_3 = arith.constant 0 : i32
    %add3A_4 = arith.addi %mul3A_2, %add3A_3 : i32
    "tpu.region"() ({
      %run_scoped3A = tpu.sem_alloc : memref<!tpu.dma_semaphore, #tpu.memory_space<semaphore_mem>>
      %dma_start3A_17 = tpu.memref_slice %arg3[%add3A_4] : memref<49152xi32, #tpu.memory_space<hbm>> -> memref<768xi32, #tpu.memory_space<hbm>>
      %dma_start3A_18 = tpu.memref_slice %arg3[%add3A_4] : memref<49152xi32, #tpu.memory_space<hbm>> -> memref<768xi32, #tpu.memory_space<hbm>>
      tpu.enqueue_dma source(%dma_start3A_18 : memref<768xi32, #tpu.memory_space<hbm>>) target(%arg5 : memref<768xi32, #tpu.memory_space<vmem>>) target_semaphore(%run_scoped3A : memref<!tpu.dma_semaphore, #tpu.memory_space<semaphore_mem>>)
      %dma_wait3A_19 = tpu.memref_slice %arg3[%add3A_4] : memref<49152xi32, #tpu.memory_space<hbm>> -> memref<768xi32, #tpu.memory_space<hbm>>
      %dma_wait3A_20 = tpu.memref_slice %arg3[%add3A_4] : memref<49152xi32, #tpu.memory_space<hbm>> -> memref<768xi32, #tpu.memory_space<hbm>>
      tpu.wait_dma2 semaphore(%run_scoped3A : memref<!tpu.dma_semaphore, #tpu.memory_space<semaphore_mem>>) src(%dma_wait3A_20 : memref<768xi32, #tpu.memory_space<hbm>>) dst(%arg5 : memref<768xi32, #tpu.memory_space<vmem>>)
      tpu.yield
    }) : () -> ()
    %dma_start3A = arith.constant 0 : i32
    %dma_start3A_5 = arith.constant 0 : i32
    %dma_start3A_6 = tpu.memref_slice %arg2[%dma_start3A, %dma_start3A_5] : memref<16384x128xf32, #tpu.memory_space<hbm>> -> memref<16384x128xf32, #tpu.memory_space<hbm>>
    tpu.enqueue_indirect_dma source(%dma_start3A_6 : memref<16384x128xf32, #tpu.memory_space<hbm>>) target(%arg6 : memref<768x128xf32, #tpu.memory_space<vmem>>) offsets(%arg5 : memref<768xi32, #tpu.memory_space<vmem>>) semaphore(%arg7 : memref<!tpu.dma_semaphore, #tpu.memory_space<semaphore_mem>>)
    %dma_wait3A = arith.constant 0 : i32
    %dma_wait3A_7 = arith.constant 0 : i32
    %dma_wait3A_8 = tpu.memref_slice %arg2[%dma_wait3A, %dma_wait3A_7] : memref<16384x128xf32, #tpu.memory_space<hbm>> -> memref<16384x128xf32, #tpu.memory_space<hbm>>
    tpu.wait_indirect_dma semaphore(%arg7 : memref<!tpu.dma_semaphore, #tpu.memory_space<semaphore_mem>>) src(%dma_wait3A_8 : memref<16384x128xf32, #tpu.memory_space<hbm>>) dst(%arg6 : memref<768x128xf32, #tpu.memory_space<vmem>>)
    "tpu.region"() ({
      %run_scoped3A = tpu.sem_alloc : memref<!tpu.dma_semaphore, #tpu.memory_space<semaphore_mem>>
      %dma_start3A_17 = arith.constant 0 : i32
      %dma_start3A_18 = tpu.memref_slice %arg4[%add3A_4, %dma_start3A_17] : memref<49152x128xf32, #tpu.memory_space<hbm>> -> memref<768x128xf32, #tpu.memory_space<hbm>>
      %dma_start3A_19 = arith.constant 0 : i32
      %dma_start3A_20 = tpu.memref_slice %arg4[%add3A_4, %dma_start3A_19] : memref<49152x128xf32, #tpu.memory_space<hbm>> -> memref<768x128xf32, #tpu.memory_space<hbm>>
      tpu.enqueue_dma source(%arg6 : memref<768x128xf32, #tpu.memory_space<vmem>>) target(%dma_start3A_20 : memref<768x128xf32, #tpu.memory_space<hbm>>) target_semaphore(%run_scoped3A : memref<!tpu.dma_semaphore, #tpu.memory_space<semaphore_mem>>)
      %dma_wait3A_21 = arith.constant 0 : i32
      %dma_wait3A_22 = tpu.memref_slice %arg4[%add3A_4, %dma_wait3A_21] : memref<49152x128xf32, #tpu.memory_space<hbm>> -> memref<768x128xf32, #tpu.memory_space<hbm>>
      %dma_wait3A_23 = arith.constant 0 : i32
      %dma_wait3A_24 = tpu.memref_slice %arg4[%add3A_4, %dma_wait3A_23] : memref<49152x128xf32, #tpu.memory_space<hbm>> -> memref<768x128xf32, #tpu.memory_space<hbm>>
      tpu.wait_dma2 semaphore(%run_scoped3A : memref<!tpu.dma_semaphore, #tpu.memory_space<semaphore_mem>>) src(%arg6 : memref<768x128xf32, #tpu.memory_space<vmem>>) dst(%dma_wait3A_24 : memref<768x128xf32, #tpu.memory_space<hbm>>)
      tpu.yield
    }) : () -> ()
    %add3A_9 = arith.constant 768 : i32
    %add3A_10 = arith.addi %mul3A_2, %add3A_9 : i32
    "tpu.region"() ({
      %run_scoped3A = tpu.sem_alloc : memref<!tpu.dma_semaphore, #tpu.memory_space<semaphore_mem>>
      %dma_start3A_17 = tpu.memref_slice %arg3[%add3A_10] : memref<49152xi32, #tpu.memory_space<hbm>> -> memref<768xi32, #tpu.memory_space<hbm>>
      %dma_start3A_18 = tpu.memref_slice %arg3[%add3A_10] : memref<49152xi32, #tpu.memory_space<hbm>> -> memref<768xi32, #tpu.memory_space<hbm>>
      tpu.enqueue_dma source(%dma_start3A_18 : memref<768xi32, #tpu.memory_space<hbm>>) target(%arg5 : memref<768xi32, #tpu.memory_space<vmem>>) target_semaphore(%run_scoped3A : memref<!tpu.dma_semaphore, #tpu.memory_space<semaphore_mem>>)
      %dma_wait3A_19 = tpu.memref_slice %arg3[%add3A_10] : memref<49152xi32, #tpu.memory_space<hbm>> -> memref<768xi32, #tpu.memory_space<hbm>>
      %dma_wait3A_20 = tpu.memref_slice %arg3[%add3A_10] : memref<49152xi32, #tpu.memory_space<hbm>> -> memref<768xi32, #tpu.memory_space<hbm>>
      tpu.wait_dma2 semaphore(%run_scoped3A : memref<!tpu.dma_semaphore, #tpu.memory_space<semaphore_mem>>) src(%dma_wait3A_20 : memref<768xi32, #tpu.memory_space<hbm>>) dst(%arg5 : memref<768xi32, #tpu.memory_space<vmem>>)
      tpu.yield
    }) : () -> ()
    %dma_start3A_11 = arith.constant 0 : i32
    %dma_start3A_12 = arith.constant 0 : i32
    %dma_start3A_13 = tpu.memref_slice %arg2[%dma_start3A_11, %dma_start3A_12] : memref<16384x128xf32, #tpu.memory_space<hbm>> -> memref<16384x128xf32, #tpu.memory_space<hbm>>
    tpu.enqueue_indirect_dma source(%dma_start3A_13 : memref<16384x128xf32, #tpu.memory_space<hbm>>) target(%arg6 : memref<768x128xf32, #tpu.memory_space<vmem>>) offsets(%arg5 : memref<768xi32, #tpu.memory_space<vmem>>) semaphore(%arg7 : memref<!tpu.dma_semaphore, #tpu.memory_space<semaphore_mem>>)
    %dma_wait3A_14 = arith.constant 0 : i32
    %dma_wait3A_15 = arith.constant 0 : i32
    %dma_wait3A_16 = tpu.memref_slice %arg2[%dma_wait3A_14, %dma_wait3A_15] : memref<16384x128xf32, #tpu.memory_space<hbm>> -> memref<16384x128xf32, #tpu.memory_space<hbm>>
    tpu.wait_indirect_dma semaphore(%arg7 : memref<!tpu.dma_semaphore, #tpu.memory_space<semaphore_mem>>) src(%dma_wait3A_16 : memref<16384x128xf32, #tpu.memory_space<hbm>>) dst(%arg6 : memref<768x128xf32, #tpu.memory_space<vmem>>)
    "tpu.region"() ({
      %run_scoped3A = tpu.sem_alloc : memref<!tpu.dma_semaphore, #tpu.memory_space<semaphore_mem>>
      %dma_start3A_17 = arith.constant 0 : i32
      %dma_start3A_18 = tpu.memref_slice %arg4[%add3A_10, %dma_start3A_17] : memref<49152x128xf32, #tpu.memory_space<hbm>> -> memref<768x128xf32, #tpu.memory_space<hbm>>
      %dma_start3A_19 = arith.constant 0 : i32
      %dma_start3A_20 = tpu.memref_slice %arg4[%add3A_10, %dma_start3A_19] : memref<49152x128xf32, #tpu.memory_space<hbm>> -> memref<768x128xf32, #tpu.memory_space<hbm>>
      tpu.enqueue_dma source(%arg6 : memref<768x128xf32, #tpu.memory_space<vmem>>) target(%dma_start3A_20 : memref<768x128xf32, #tpu.memory_space<hbm>>) target_semaphore(%run_scoped3A : memref<!tpu.dma_semaphore, #tpu.memory_space<semaphore_mem>>)
      %dma_wait3A_21 = arith.constant 0 : i32
      %dma_wait3A_22 = tpu.memref_slice %arg4[%add3A_10, %dma_wait3A_21] : memref<49152x128xf32, #tpu.memory_space<hbm>> -> memref<768x128xf32, #tpu.memory_space<hbm>>
      %dma_wait3A_23 = arith.constant 0 : i32
      %dma_wait3A_24 = tpu.memref_slice %arg4[%add3A_10, %dma_wait3A_23] : memref<49152x128xf32, #tpu.memory_space<hbm>> -> memref<768x128xf32, #tpu.memory_space<hbm>>
      tpu.wait_dma2 semaphore(%run_scoped3A : memref<!tpu.dma_semaphore, #tpu.memory_space<semaphore_mem>>) src(%arg6 : memref<768x128xf32, #tpu.memory_space<vmem>>) dst(%dma_wait3A_24 : memref<768x128xf32, #tpu.memory_space<hbm>>)
      tpu.yield
    }) : () -> ()
    return
  }
}

</mosaic_0001>

<sc_bundles>
// kernel: _sc_gather.3.cloned.1.call-start
scs
__scs_entry_jumppad:
0x0: {  	(pc) =	sbr.rel $0x88, $3  }
0x1: {  	(tag) =	ssettag $0x0;
	lr =	simm.s32 $0x1  }
0x2: {  	[smem:$0x3F9F] =	sst lr;
	_ =	strace $0xD0000000  }
0x3: {  	_ = 	snop  }
0x4: {  	_ = 	snop  }
0x5: {  	_ = 	snop  }
0x6: {  	_ = 	snop  }
0x7: {  	_ = 	snop  }
__scs_overlays_trampoline_lowered:
0x8: {  	[smem:$0x3FAE] =	sst s0  }
0x9: {  	[smem:$0x3FAF] =	sst s1  }
0xa: {  	[smem:$0x3FB0] =	sst s2  }
0xb: {  	[smem:$0x3FB1] =	sst s3  }
0xc: {  	[smem:$0x3FB2] =	sst s4  }
0xd: {  	[smem:$0x3FB3] =	sst s5  }
0xe: {  	[smem:$0x3FB4] =	sst s6  }
0xf: {  	[smem:$0x3FB5] =	sst s7  }
0x10: {  	[smem:$0x3FB6] =	sst s8  }
0x11: {  	[smem:$0x3FB7] =	sst s9;
	s0 =	simm.s32 @!p0 $0x0  }
0x12: {  	s1 =	sld [smem:$0x3F9D];
	s0 =	simm.s32 @p0 $0x1  }
0x13: {  	[smem:$0x3FB8] =	sst s0;
	s0 =	simm.s32 @!p1 $0x0  }
0x14: {  	s2 =	sld [smem:$0x3F9C];
	s0 =	simm.s32 @p1 $0x1  }
0x15: {  	[smem:$0x3FB9] =	sst s0;
	s0 =	simm.s32 @!p2 $0x0  }
0x16: {  	s3 =	sld [smem:$0x3FDB];
	s0 =	simm.s32 @p2 $0x1  }
0x17: {  	s4 =	simm.s32 $0x1BF5;
	[smem:$0x3FBB] =	sst s0  }
0x18: {  	s0 =	sld [smem:$0x3F9E];
	_ =	swait.ge [sflag:s4], $0x0  }
0x19: {  	s7 =	sld [smem:$0x3F9F]  }
0x1a: {  	s8 =	sadd.s32 $0xFFFFE003, lr  }
0x1b: {  	s9 =	sadd.s32 $0xFFFFFEF7, lr;
	s5 =	simm.s32 $0xFFFFFFFF;
	p2 =	slt.u32 s8, $0xFFFFF086  }
0x1c: {  	p1 =	slt.u32 s9, $0xF7A;
	s5 =	simm.s32 @!p2 $0x0  }
0x1d: {  	s5 =	simm.s32 @p1 $0x1;
	p0 =	seq.s32 s7, s2  }
0x1e: {  	s7 =	smul.u32 @!p0 $0xF7A, s2;
	p2 =	seq.s32 @!p0 s5, $0x0  }
0x1f: {  	s9 =	smul.u32 $0xF7A, s1;
	s8 =	simm.s32 @!p0 $0x1BF5;
	p2 =	por !p2, p0  }
0x20: {  	[sflag:s8] =	ssyncset.s32 @!p0 $0xFFFFF086;
	s6 =	sadd.s32 @!p0 s3, s7;
	s7 =	simm.s32 @!p0 $0x108  }
0x21: {  	s3 =	sadd.s32 s3, s9;
	s6 =	sadd.s32 @!p0 $0x88, s6;
	s7 =	simm.s32 @p2 $0x1082  }
0x22: {  	[simem:s7], [sflag:s8] =	dma.local @!p0 [hbm:s6], $0xF7A  }
0x23: {  	s9 =	sor.u32 $0xD0000000, s2;
	s6 =	simm.s32 $0x108;
	_ =	swait.ge @!p0 [sflag:s8], $0x0  }
0x24: {  	s3 =	sadd.s32 $0x88, s3;
	s6 =	simm.s32 @!p1 $0x1082;
	[sflag:s4] =	ssyncset.s32 $0xFFFFF086  }
0x25: {  	[simem:s6], [sflag:s4] =	dma.local [hbm:s3], $0xF7A  }
0x26: {  	[smem:$0x3F9F] =	sst s1;
	(tag) =	ssettag s2;
	_ =	strace s9  }
0x27: {  	s1 =	sld [smem:$0x3FAF]  }
0x28: {  	s2 =	sld [smem:$0x3FB0]  }
0x29: {  	s4 =	sld [smem:$0x3FB2]  }
0x2a: {  	p0 =	seq.s32 s5, $0x0;
	s5 =	sld [smem:$0x3FB3]  }
0x2b: {  	s6 =	sld [smem:$0x3FB4]  }
0x2c: {  	s7 =	sld [smem:$0x3FB5]  }
0x2d: {  	s3 =	simm.s32 $0x108;
	s8 =	sld [smem:$0x3FB6]  }
0x2e: {  	s3 =	simm.s32 @!p0 $0x1082;
	s9 =	sld [smem:$0x3FB7]  }
0x2f: {  	lr =	sadd.s32 s0, s3;
	s0 =	sld [smem:$0x3FAE]  }
0x30: {  	s3 =	sld [smem:$0x3FB1]  }
0x31: {  	[smem:$0x3FBA] =	sst s10  }
0x32: {  	s10 =	sld [smem:$0x3FB8];
	_ =	sdelay $0x3  }
0x33: {  	p0 =	seq.s32 s10, $0x1;
	s10 =	sld [smem:$0x3FBA];
	_ =	sdelay $0x3  }
0x34: {  	[smem:$0x3FBA] =	sst s10  }
0x35: {  	s10 =	sld [smem:$0x3FB9];
	_ =	sdelay $0x3  }
0x36: {  	p1 =	seq.s32 s10, $0x1;
	s10 =	sld [smem:$0x3FBA];
	_ =	sdelay $0x3  }
0x37: {  	[smem:$0x3FBA] =	sst s10  }
0x38: {  	s10 =	sld [smem:$0x3FBB]  }
0x39: {  	_ = 	snop;
	(pc) =	sbr.ind lr, $3  }
0x3a: {  	_ = 	snop  }
0x3b: {  	_ = 	snop  }
0x3c: {  	p2 =	seq.s32 s10, $0x1;
	s10 =	sld [smem:$0x3FBA]  }
0x3d: {  	_ =	shalt  }
0x3e: {  	_ =	shalt  }
0x3f: {  	_ =	shalt  }
0x40: {  	_ =	shalt  }
0x41: {  	_ =	shalt  }
0x42: {  	_ =	shalt  }
0x43: {  	_ =	shalt  }
0x44: {  	_ =	shalt  }
0x45: {  	_ =	shalt  }
0x46: {  	_ =	shalt  }
0x47: {  	_ =	shalt  }
0x48: {  	_ =	shalt  }
0x49: {  	_ =	shalt  }
0x4a: {  	_ =	shalt  }
0x4b: {  	_ =	shalt  }
0x4c: {  	_ =	shalt  }
0x4d: {  	_ =	shalt  }
0x4e: {  	_ =	shalt  }
0x4f: {  	_ =	shalt  }
0x50: {  	_ =	shalt  }
0x51: {  	_ =	shalt  }
0x52: {  	_ =	shalt  }
0x53: {  	_ =	shalt  }
0x54: {  	_ =	shalt  }
0x55: {  	_ =	shalt  }
0x56: {  	_ =	shalt  }
0x57: {  	_ =	shalt  }
0x58: {  	_ =	shalt  }
0x59: {  	_ =	shalt  }
0x5a: {  	_ =	shalt  }
0x5b: {  	_ =	shalt  }
0x5c: {  	_ =	shalt  }
0x5d: {  	_ =	shalt  }
0x5e: {  	_ =	shalt  }
0x5f: {  	_ =	shalt  }
0x60: {  	_ =	shalt  }
0x61: {  	_ =	shalt  }
0x62: {  	_ =	shalt  }
0x63: {  	_ =	shalt  }
0x64: {  	_ =	shalt  }
0x65: {  	_ =	shalt  }
0x66: {  	_ =	shalt  }
0x67: {  	_ =	shalt  }
0x68: {  	_ =	shalt  }
0x69: {  	_ =	shalt  }
0x6a: {  	_ =	shalt  }
0x6b: {  	_ =	shalt  }
0x6c: {  	_ =	shalt  }
0x6d: {  	_ =	shalt  }
0x6e: {  	_ =	shalt  }
0x6f: {  	_ =	shalt  }
0x70: {  	_ =	shalt  }
0x71: {  	_ =	shalt  }
0x72: {  	_ =	shalt  }
0x73: {  	_ =	shalt  }
0x74: {  	_ =	shalt  }
0x75: {  	_ =	shalt  }
0x76: {  	_ =	shalt  }
0x77: {  	_ =	shalt  }
0x78: {  	_ =	shalt  }
0x79: {  	_ =	shalt  }
0x7a: {  	_ =	shalt  }
0x7b: {  	_ =	shalt  }
0x7c: {  	_ =	shalt  }
0x7d: {  	_ =	shalt  }
0x7e: {  	_ =	shalt  }
0x7f: {  	_ =	shalt  }
0x80: {  	_ =	shalt  }
0x81: {  	_ =	shalt  }
0x82: {  	_ =	shalt  }
0x83: {  	_ =	shalt  }
0x84: {  	_ =	shalt  }
0x85: {  	_ =	shalt  }
0x86: {  	_ =	shalt  }
0x87: {  	_ =	shalt  }
.Lfunc_end0:
.L_simem_size_0:
called_computation_lowered:
.L_overlay_start_0:
0x88: {  	s2 =	sld [smem:$0x3FD9]  }
0x89: {  	s3 =	sld [smem:$0x3FFE];
	_ =	sdelay $0x1  }
0x8a: {  	s1 =	srdreg.scid  }
0x8b: {  	s0 =	sand.u32 $0x1, s1  }
0x8c: {  	s18 =	sshll.u32 s0, $0xA;
	s2 =	sadd.s32 s3, s2  }
0x8d: {  	s2 =	sadd.s32 s2, s18  }
0x8e: {  	[smem:$0x3FC6] =	sst s2  }
0x8f: {  	_ = 	snop  }
0x90: {  	s2 =	sld [smem:$0x3FC9]  }
0x91: {  	s19 =	sld [smem:$0x3FC8]  }
0x92: {  	s4 =	sld [smem:$0x3FD0];
	(tm) =	ssettm $0x1  }
0x93: {  	s5 =	sld [smem:$0x3FFB];
	_ =	sdelay $0x3  }
0x94: {  	_ =	strace s5  }
0x95: {  	s5 =	sld [smem:$0x3FFC];
	_ =	sdelay $0x3  }
0x96: {  	_ =	strace s5  }
0x97: {  	s5 =	sld [smem:$0x3FFD];
	_ =	sdelay $0x3  }
0x98: {  	_ =	strace s5  }
0x99: {  	_ =	strace $0x8FFFFFFF  }
0x9a: {  	s20 =	sld [smem:$0x3FDB];
	_ =	sdelay $0x1  }
0x9b: {  	s6 =	simm.s32 $_scs_section_size  }
0x9c: {  	s7 =	simm.s32 $_size__tile_overlayer_lowered;
	s8 =	simm.s32 $_tile_overlayer_lowered  }
0x9d: {  	s23 =	simm.s32 $0x1BFF;
	s22 =	sshll.u32 s8, $0x1;
	s5 =	sadd.s32 s6, s20  }
0x9e: {  	s9 =	simm.s32 $0x0;
	s21 =	sshll.u32 s7, $0x1;
	s7 =	sadd.s32 s22, s5  }
0x9f: {  	[timem:s9], [sflag:s23] =	dma.local [hbm:s7], s21  }
0xa0: {  	_ =	swait.ge [sflag:s23], s21  }
0xa1: {  	s6 =	ssub.s32 $0x0, s21;
	[sflag:s23] =	ssyncset.done $0x0  }
0xa2: {  	[sflag:s23] =	ssyncadd.s32 s6;
	_ =	sdelay $0x1  }
0xa3: {  	s24 =	simm.s32 $0x1B8B  }
0xa4: {  	_ =	swait.ge [sflag:s24], $0x1  }
0xa5: {  	[sflag:s24] =	ssyncset.done $0x0  }
0xa6: {  	s25 =	simm.s32 $0x1B8E;
	[sflag:s24] =	ssyncadd.s32 $0xFFFFFFFF  }
0xa7: {  	s26 =	simm.s32 $execute0_lowered;
	[smem:$0x3FD2] =	sst s25  }
0xa8: {  	s6 =	sshll.u32 s26, $0x1;
	_ =	strace $0x80000046;
	[dreg:$0x1] =	wrdreg $0xFFFFFFFF  }
0xa9: {  	s28 =	simm.s32 $_size_execute0_lowered;
	s5 =	sadd.s32 s5, s6;
	[dreg:$0x0] =	wrdreg $0x0  }
0xaa: {  	s6 =	sshll.u32 s28, $0x1;
	[dreg:$0x2] =	wrdreg s5  }
0xab: {  	[dreg:$0x3] =	wrdreg s6  }
0xac: {  	[dreg:$0x4] =	wrdreg $0xC0  }
0xad: {  	_ =	task [dreg:s9], $0x5FFFF  }
0xae: {  	[dreg:$0x1] =	wrdreg $0xFFFFFFFF  }
0xaf: {  	[dreg:$0x0] =	wrdreg $0x60  }
0xb0: {  	[dreg:$0x2] =	wrdreg s2  }
0xb1: {  	[dreg:$0x3] =	wrdreg s19  }
0xb2: {  	[dreg:$0x4] =	wrdreg s4  }
0xb3: {  	[dreg:$0x5] =	wrdreg $0x9  }
0xb4: {  	_ =	task.clear_ibuf [dreg:s9], $0x6FFFF;
	_ =	strace $0x90000046  }
0xb5: {  	s29 =	simm.s32 $0x9;
	_ =	strace $0x80000048  }
0xb6: {  	_ =	swait.ge [sflag:s29], $0x1  }
0xb7: {  	[sflag:s29] =	ssyncadd.s32 $0xFFFFFFFF  }
0xb8: {  	_ =	strace $0x90000048  }
0xb9: {  	_ =	sfence  }
0xba: {  	s30 =	sld [smem:$0x0];
	_ =	sdelay $0x2  }
0xbb: {  	s31 =	sshll.u32 s1, $0xD;
	s1 =	sshrl.u32 s1, $0x2  }
0xbc: {  	s3 =	sand.u32 $0x4000, s31;
	s1 =	sadd.s32 s1, s30  }
0xbd: {  	s0 =	sor.u32 s3, s0;
	s1 =	sshll.u32 s1, $0x11  }
0xbe: {  	s0 =	sor.u32 s1, s0  }
0xbf: {  	s0 =	sadd.s32 $0x8F2B, s0  }
0xc0: {  	[sflag:s0] =	ssyncadd.remote.s32 $0x1  }
0xc1: {  	_ =	sfence.sel $0xFFFF  }
0xc2: {  	[dreg:$0x0] =	wrdreg $0xFFFFFFFF;
	(pc) =	sbr.abs _section_cstart, $3  }
0xc3: {  	[dreg:$0x1] =	wrdreg $0xFFFFFFFF  }
0xc4: {  	_ =	task.clear_ibuf [dreg:s9], $0x2FFFF;
	_ =	strace $0x9FFFFFFF  }
0xc5: {  	(tm) =	ssettm $0x7FFFFFFF  }
tec
execute0_lowered:
.L_overlay_start_1:
0x0: {  	(tag) =	ssettag $0x1  }
0x1: {  	s1 =	srdreg.scid;
	s0 =	stileid.u32  }
0x2: {  	s2 =	rddreg [dreg:$0x0];
	s10 =	sand.u32 $0x1, s1;
	s28 =	sshll.u32 s0, $0x1  }
0x3: {  	s9 =	rddreg [dreg:$0x1];
	s8 =	sor.u32 s10, s28  }
0x4: {  	s11 =	rddreg [dreg:$0x2];
	s12 =	smul.u32 $0x600, s8  }
0x5: {  	s3 =	simm.s32 $0x0;
	s1 =	rddreg [dreg:$0x3]  }
0x6: {  	[smem:$0x7FF] =	sst s3;
	s4 =	sshrl.u32 s12, $0x3  }
0x7: {  	_ =	strace $0x80000047;
	s5 =	sadd.s32 s9, s4;
	s4 =	simm.s32 $0x2  }
0x8: {  	[tilespmem:s3], [sflag:$0x2] =	stream.linear.gather [hbm4b:s5+s3], $0x300, $0x38;
	[tilespmem:$0x18300] =	vst v63  }
0x9: {  	_ =	swait.ge [sflag:s4], $0x300  }
0xa: {  	[sflag:s4] =	ssyncset.done $0x0  }
0xb: {  	s6 =	simm.s32 $0x300;
	s7 =	simm.s32 $0x1;
	[sflag:s4] =	ssyncadd.s32 $0xFFFFFD00  }
0xc: {  	[tilespmem:s6], [sflag:$0x1] =	stream.indirect.gather [hbm4b:s2+s6], $0x80, s3, s6, $0xb8;
	[tilespmem:$0x18300] =	vst v63  }
0xd: {  	s8 =	smul.u32 $0x6000, s8;
	_ =	swait.ge [sflag:s7], $0x18000  }
0xe: {  	[sflag:s7] =	ssyncset.done $0x0  }
0xf: {  	s8 =	sadd.s32 s11, s8;
	[sflag:s7] =	ssyncadd.s32 $0xFFFE8000  }
0x10: {  	[hbm4b:s8+s3] =	stream.linear.scatter [tilespmem:s6], [sflag:$0x2], $0x18000, $0x38;
	[tilespmem:$0x18300] =	vst v63  }
0x11: {  	s12 =	sadd.s32 $0x300, s12;
	_ =	swait.ge [sflag:s4], $0x18000  }
0x12: {  	s13 =	sshrl.u32 s12, $0x3;
	[sflag:s4] =	ssyncset.done $0x0  }
0x13: {  	s10 =	ssub.s32 $0x2, s10;
	s9 =	sadd.s32 s9, s13;
	[sflag:s4] =	ssyncadd.s32 $0xFFFE8000  }
0x14: {  	[tilespmem:s3], [sflag:$0x2] =	stream.linear.gather [hbm4b:s9+s3], $0x300, $0x38;
	[tilespmem:$0x18300] =	vst v63  }
0x15: {  	s29 =	sshrl.u32 s10, $0x1;
	_ =	swait.ge [sflag:s4], $0x300  }
0x16: {  	s13 =	ssub.s32 s10, s29;
	[sflag:s4] =	ssyncset.done $0x0  }
0x17: {  	s31 =	smax.u32 s13, $0x1;
	[sflag:s4] =	ssyncadd.s32 $0xFFFFFD00  }
0x18: {  	[tilespmem:s6], [sflag:$0x1] =	stream.indirect.gather [hbm4b:s2+s6], $0x80, s3, s6, $0xb8;
	[tilespmem:$0x18300] =	vst v63  }
0x19: {  	p0 =	sne.s32 s31, $0x1;
	_ =	swait.ge [sflag:s7], $0x18000  }
.Ltmp0:
0x1a: {  	s30 =	sshll.u32 s12, $0x4;
	[sflag:s7] =	ssyncset.done $0x0;
	(pc) =	sbr.rel @!p0 .LBB2_2-.Ltmp0, $4  }
0x1b: {  	s10 =	sadd.s32 s11, s30;
	[sflag:s7] =	ssyncadd.s32 $0xFFFE8000  }
0x1c: {  	[hbm4b:s10+s3] =	stream.linear.scatter [tilespmem:s6], [sflag:$0x2], $0x18000, $0x38;
	[tilespmem:$0x18300] =	vst v63  }
0x1d: {  	_ =	swait.ge [sflag:s4], $0x18000  }
0x1e: {  	s11 =	sadd.s32 $0xFFFFFFFF, s31;
	[sflag:s4] =	ssyncset.done $0x0  }
.LBB2_1:
0x1f: {  	p0 =	sne.s32 s11, $0x1;
	s11 =	sadd.s32 $0xFFFFFFFF, s11;
	[sflag:s4] =	ssyncadd.s32 $0xFFFE8000  }
0x20: {  	[tilespmem:s3], [sflag:$0x2] =	stream.linear.gather [hbm4b:s5+s3], $0x300, $0x38;
	[tilespmem:$0x18300] =	vst v63  }
0x21: {  	_ =	swait.ge [sflag:s4], $0x300  }
0x22: {  	[sflag:s4] =	ssyncset.done $0x0  }
0x23: {  	[sflag:s4] =	ssyncadd.s32 $0xFFFFFD00  }
0x24: {  	[tilespmem:s6], [sflag:$0x1] =	stream.indirect.gather [hbm4b:s2+s6], $0x80, s3, s6, $0xb8;
	[tilespmem:$0x18300] =	vst v63  }
0x25: {  	_ =	swait.ge [sflag:s7], $0x18000  }
0x26: {  	[sflag:s7] =	ssyncset.done $0x0  }
0x27: {  	[sflag:s7] =	ssyncadd.s32 $0xFFFE8000  }
0x28: {  	[hbm4b:s8+s3] =	stream.linear.scatter [tilespmem:s6], [sflag:$0x2], $0x18000, $0x38;
	[tilespmem:$0x18300] =	vst v63  }
0x29: {  	_ =	swait.ge [sflag:s4], $0x18000  }
0x2a: {  	[sflag:s4] =	ssyncset.done $0x0  }
0x2b: {  	[sflag:s4] =	ssyncadd.s32 $0xFFFE8000  }
0x2c: {  	[tilespmem:s3], [sflag:$0x2] =	stream.linear.gather [hbm4b:s9+s3], $0x300, $0x38;
	[tilespmem:$0x18300] =	vst v63  }
0x2d: {  	_ =	swait.ge [sflag:s4], $0x300  }
0x2e: {  	[sflag:s4] =	ssyncset.done $0x0  }
0x2f: {  	[sflag:s4] =	ssyncadd.s32 $0xFFFFFD00  }
0x30: {  	[tilespmem:s6], [sflag:$0x1] =	stream.indirect.gather [hbm4b:s2+s6], $0x80, s3, s6, $0xb8;
	[tilespmem:$0x18300] =	vst v63  }
0x31: {  	_ =	swait.ge [sflag:s7], $0x18000  }
.Ltmp1:
0x32: {  	[sflag:s7] =	ssyncset.done $0x0;
	(pc) =	sbr.rel @p0 .LBB2_1-.Ltmp1, $4  }
0x33: {  	[sflag:s7] =	ssyncadd.s32 $0xFFFE8000  }
0x34: {  	[hbm4b:s10+s3] =	stream.linear.scatter [tilespmem:s6], [sflag:$0x2], $0x18000, $0x38;
	[tilespmem:$0x18300] =	vst v63  }
0x35: {  	_ =	swait.ge [sflag:s4], $0x18000  }
0x36: {  	[sflag:s4] =	ssyncset.done $0x0  }
.LBB2_2:
0x37: {  	[sflag:s4] =	ssyncadd.s32 $0xFFFE8000  }
0x38: {  	_ =	sfence.sel $0x180000  }
0x39: {  	[bflag:$0x0] =	sbarrier.arrive $0xFFFF  }
0x3a: {  	p0 =	sne.s32 s0, $0x0;
	_ =	strace $0x90000047  }
0x3b: {  	s0 =	sadd.s32 @!p0 $0x100000, s1;
	[bflag:$0x2] =	sbarrier.arrive $0xFFFF  }
0x3c: {  	[sflag:s0] =	ssyncadd.tile.s32 @!p0 $0x1;
	_ =	shalt  }
.Lfunc_end2:
_tile_overlayer_lowered:
.L_overlay_start_2:
0x3d: {  	(tag) =	ssettag $0x2  }
0x3e: {  	s0 =	rddreg [dreg:$0x0];
	s2 =	stileid.u32  }
0x3f: {  	s1 =	rddreg [dreg:$0x1];
	p0 =	sne.s32 s2, $0x0  }
0x40: {  	s3 =	rddreg [dreg:$0x2];
	[bflag:$0x3] =	sbarrier.arrive $0xFFFF;
	s2 =	simm.s32 @!p0 $0x1C02  }
0x41: {  	[timem:s3], [sflag:s2] =	dma.local @!p0 [hbm:s0], s1  }
0x42: {  	s0 =	simm.s32 @!p0 $0x2  }
0x43: {  	_ =	swait.ge @!p0 [sflag:s0], s1  }
0x44: {  	s1 =	ssub.s32 @!p0 $0x0, s1;
	[sflag:s0] =	ssyncset.done @!p0 $0x0  }
0x45: {  	[sflag:s0] =	ssyncadd.s32 @!p0 s1  }
0x46: {  	[bflag:$0x3] =	sbarrier.arrive $0xFFFF  }
0x47: {  	_ =	shalt  }

</sc_bundles>
